<compile_context>
chip_gen: v7x
topology: tpu7x:2x2x1
jax: 0.10.2.dev20260603
libtpu: 0.0.44.dev20260713+nightly
codegen_flags: <defaults>
</compile_context>

<pallas_src>
import functools

import jax
import jax.numpy as jnp
from jax import lax
from jax.experimental import pallas as pl
from jax.experimental.pallas import tpu as pltpu
from jax.experimental.pallas import tpu_sc as plsc

B, H, N, F_IN, F_OUT = 8, 12, 1024, 192, 192
DH = F_OUT // H
BN = 256

_NC, _NS = 2, 16
_NW = _NC * _NS
_ROWS = B * H * N
_RPW = _ROWS // _NW
_CH = 32
_NCH = _RPW // _CH


def _gcn_body(x_ref, adj_ref, w_ref, b_ref, h_ref, support_ref):
    i = pl.program_id(1)

    @pl.when(i == 0)
    def _():
        support_ref[...] = jnp.dot(
            x_ref[0].astype(jnp.bfloat16),
            w_ref[...].astype(jnp.bfloat16),
            preferred_element_type=jnp.float32,
        )

    parts = []
    for h in range(H):
        a = adj_ref[0, h].astype(jnp.bfloat16)
        s = support_ref[:, h * DH:(h + 1) * DH]
        parts.append(
            jnp.dot(a, s.astype(jnp.bfloat16),
                    preferred_element_type=jnp.float32)
        )
    acc = jnp.concatenate(parts, axis=-1)
    h_ref[0] = jax.nn.gelu(acc + b_ref[...])


def _tc_compute(x, adj, W, b2):
    grid = (B, N // BN)
    return pl.pallas_call(
        _gcn_body,
        grid=grid,
        in_specs=[
            pl.BlockSpec((1, N, F_IN), lambda bi, i: (bi, 0, 0)),
            pl.BlockSpec((1, H, BN, N), lambda bi, i: (bi, 0, i, 0)),
            pl.BlockSpec((F_IN, F_OUT), lambda bi, i: (0, 0)),
            pl.BlockSpec((1, F_OUT), lambda bi, i: (0, 0)),
        ],
        out_specs=pl.BlockSpec((1, BN, F_OUT), lambda bi, i: (bi, i, 0)),
        out_shape=jax.ShapeDtypeStruct((B, N, F_OUT), jnp.float32),
        scratch_shapes=[pltpu.VMEM((N, F_OUT), jnp.float32)],
    )(x, adj, W, b2)


def _sc_copy(adj2):
    mesh = plsc.VectorSubcoreMesh(core_axis_name="c", subcore_axis_name="s")

    @functools.partial(
        pl.kernel,
        mesh=mesh,
        out_type=jax.ShapeDtypeStruct((_ROWS, N), jnp.float32),
        scratch_types=[
            pltpu.VMEM((_CH, N), jnp.float32),
            pltpu.VMEM((_CH, N), jnp.float32),
            pltpu.VMEM((_CH, N), jnp.float32),
            pltpu.SemaphoreType.DMA,
            pltpu.SemaphoreType.DMA,
        ],
    )
    def copy_kernel(adj_hbm, out_hbm, b0, b1, b2, sem_r, sem_w):
        wid = lax.axis_index("s") * _NC + lax.axis_index("c")
        base = wid * _RPW
        bufs = (b0, b1, b2)

        def rd(k, m):
            return pltpu.make_async_copy(
                adj_hbm.at[pl.ds(base + k * _CH, _CH)], bufs[m], sem_r)

        def wr(k, m):
            return pltpu.make_async_copy(
                bufs[m], out_hbm.at[pl.ds(base + k * _CH, _CH)], sem_w)

        rd(0, 0).start()
        rd(1, 1).start()

        def body(g, carry):
            for t in range(3):
                k = 3 * g + t
                rd(k, t).wait()
                wr(k, t).start()

                @pl.when(k >= 1)
                def _():
                    wr(k - 1, (t - 1) % 3).wait()

                @pl.when(k + 2 < _NCH)
                def _():
                    rd(k + 2, (t + 2) % 3).start()

            return carry

        lax.fori_loop(0, _NCH // 3, body, 0)
        wr(_NCH - 1, (_NCH - 1) % 3).wait()

    return copy_kernel(adj2)


@jax.jit
def kernel(x, adj, W, b):
    b2 = b.reshape(1, F_OUT)
    h_out = _tc_compute(x, adj, W, b2)
    adjc = _sc_copy(adj.reshape(_ROWS, N))
    return h_out, adjc.reshape(B * H, N, N)

# --- scband reference (transcript-rebuilt; emitter-appended) ---
"""Pipeline reference for scband-gcn-38130719654021 (READ-ONLY COPY).

The authoritative reference and input builder live on the scoring server;
editing this copy changes nothing except your own understanding.
"""

import jax, jax.numpy as jnp
import numpy as np

B, H, N, F_IN, F_OUT = 8, 12, 1024, 192, 192
DH = F_OUT // H

def setup_inputs(seed: int = 0) -> dict:
    key = jax.random.key(seed)
    k1, k2, k3, k4 = jax.random.split(key, 4)
    x = jax.random.normal(k1, (B, N, F_IN), dtype=jnp.float32)
    adj = jax.random.uniform(k2, (B, H, N, N), dtype=jnp.float32)
    stdv = 1.0 / np.sqrt(F_OUT)
    W = jax.random.uniform(k3, (F_IN, F_OUT), dtype=jnp.float32, minval=-stdv, maxval=stdv)
    b = jax.random.uniform(k4, (F_OUT,), dtype=jnp.float32, minval=-stdv, maxval=stdv)
    return {"x": x, "adj": adj, "W": W, "b": b}

def _graph_conv(x, adj, W, b):
    # support = x @ W : [B, N, F_OUT]
    support = jnp.einsum('bnf,fk->bnk', x, W)
    # split feature dim into heads: [B, H, N, DH]
    support_h = support.reshape(B, N, H, DH).transpose(0, 2, 1, 3)
    # per-head neighborhood aggregation: adj[b,h] @ support[b,h]
    out_h = jnp.einsum('bhnm,bhmd->bhnd', adj, support_h)
    # merge heads back: [B, N, F_OUT]
    out = out_h.transpose(0, 2, 1, 3).reshape(B, N, F_OUT)
    return out + b

def reference(x, adj, W, b):
    head_num = adj.shape[1]
    adj_copy = adj.reshape(B * head_num, N, N)
    h = jax.nn.gelu(_graph_conv(x, adj, W, b))
    # dropout is identity in eval mode
    return (h, adj_copy)

if __name__ == "__main__":
    import jax
    _d = setup_inputs()
    print(jax.jit(kernel)(*tuple(_d.values())))

</pallas_src>

<mosaic_0001>
#map = affine_map<(d0, d1) -> (0, 0)>
module attributes {stable_mosaic.version = 14 : i64} {
  func.func @copy_kernel(%arg0: i32, %arg1: i32, %arg2: memref<98304x1024xf32, #tpu.memory_space<hbm>>, %arg3: memref<98304x1024xf32, #tpu.memory_space<hbm>>, %arg4: memref<32x1024xf32, #tpu.memory_space<vmem>>, %arg5: memref<32x1024xf32, #tpu.memory_space<vmem>>, %arg6: memref<32x1024xf32, #tpu.memory_space<vmem>>, %arg7: memref<!tpu.dma_semaphore, #tpu.memory_space<semaphore_mem>>, %arg8: memref<!tpu.dma_semaphore, #tpu.memory_space<semaphore_mem>>) attributes {dimension_semantics = [#tpu.dimension_semantics<core_parallel>, #tpu.dimension_semantics<subcore_parallel>], iteration_bounds = array<i64: 2, 16>, scalar_prefetch = 0 : i64, scratch_operands = 5 : i64, tpu.core_type = #tpu.core_type<sc_vector_subcore>, window_params = [{transform_indices = #map}, {transform_indices = #map}]} {
    %mul3A = arith.constant 2 : i32
    %mul3A_0 = arith.muli %arg1, %mul3A : i32
    %add3A = arith.addi %mul3A_0, %arg0 : i32
    %mul3A_1 = arith.constant 3072 : i32
    %mul3A_2 = arith.muli %add3A, %mul3A_1 : i32
    %add3A_3 = arith.constant 0 : i32
    %add3A_4 = arith.addi %mul3A_2, %add3A_3 : i32
    %dma_start3A = arith.constant 0 : i32
    %dma_start3A_5 = tpu.memref_slice %arg2[%add3A_4, %dma_start3A] : memref<98304x1024xf32, #tpu.memory_space<hbm>> -> memref<32x1024xf32, #tpu.memory_space<hbm>>
    %dma_start3A_6 = arith.constant 0 : i32
    %dma_start3A_7 = tpu.memref_slice %arg2[%add3A_4, %dma_start3A_6] : memref<98304x1024xf32, #tpu.memory_space<hbm>> -> memref<32x1024xf32, #tpu.memory_space<hbm>>
    tpu.enqueue_dma source(%dma_start3A_7 : memref<32x1024xf32, #tpu.memory_space<hbm>>) target(%arg4 : memref<32x1024xf32, #tpu.memory_space<vmem>>) target_semaphore(%arg7 : memref<!tpu.dma_semaphore, #tpu.memory_space<semaphore_mem>>)
    %add3A_8 = arith.constant 32 : i32
    %add3A_9 = arith.addi %mul3A_2, %add3A_8 : i32
    %dma_start3A_10 = arith.constant 0 : i32
    %dma_start3A_11 = tpu.memref_slice %arg2[%add3A_9, %dma_start3A_10] : memref<98304x1024xf32, #tpu.memory_space<hbm>> -> memref<32x1024xf32, #tpu.memory_space<hbm>>
    %dma_start3A_12 = arith.constant 0 : i32
    %dma_start3A_13 = tpu.memref_slice %arg2[%add3A_9, %dma_start3A_12] : memref<98304x1024xf32, #tpu.memory_space<hbm>> -> memref<32x1024xf32, #tpu.memory_space<hbm>>
    tpu.enqueue_dma source(%dma_start3A_13 : memref<32x1024xf32, #tpu.memory_space<hbm>>) target(%arg5 : memref<32x1024xf32, #tpu.memory_space<vmem>>) target_semaphore(%arg7 : memref<!tpu.dma_semaphore, #tpu.memory_space<semaphore_mem>>)
    %scan3A = arith.constant 0 : i32
    %scan3A_14 = arith.constant 0 : i32
    %scan3A_15 = arith.constant 32 : i32
    %scan3A_16 = arith.addi %scan3A_14, %scan3A_15 : i32
    %scan3A_17 = arith.constant 1 : i32
    scf.for %scan3A_24 = %scan3A_14 to %scan3A_16 step %scan3A_17  : i32 {
      %mul3A_25 = arith.constant 3 : i32
      %mul3A_26 = arith.muli %mul3A_25, %scan3A_24 : i32
      %add3A_27 = arith.constant 0 : i32
      %add3A_28 = arith.addi %mul3A_26, %add3A_27 : i32
      %mul3A_29 = arith.constant 32 : i32
      %mul3A_30 = arith.muli %add3A_28, %mul3A_29 : i32
      %add3A_31 = arith.addi %mul3A_2, %mul3A_30 : i32
      %dma_wait3A_32 = arith.constant 0 : i32
      %dma_wait3A_33 = tpu.memref_slice %arg2[%add3A_31, %dma_wait3A_32] : memref<98304x1024xf32, #tpu.memory_space<hbm>> -> memref<32x1024xf32, #tpu.memory_space<hbm>>
      %dma_wait3A_34 = arith.constant 0 : i32
      %dma_wait3A_35 = tpu.memref_slice %arg2[%add3A_31, %dma_wait3A_34] : memref<98304x1024xf32, #tpu.memory_space<hbm>> -> memref<32x1024xf32, #tpu.memory_space<hbm>>
      tpu.wait_dma2 semaphore(%arg7 : memref<!tpu.dma_semaphore, #tpu.memory_space<semaphore_mem>>) src(%dma_wait3A_35 : memref<32x1024xf32, #tpu.memory_space<hbm>>) dst(%arg4 : memref<32x1024xf32, #tpu.memory_space<vmem>>)
      %mul3A_36 = arith.constant 32 : i32
      %mul3A_37 = arith.muli %add3A_28, %mul3A_36 : i32
      %add3A_38 = arith.addi %mul3A_2, %mul3A_37 : i32
      %dma_start3A_39 = arith.constant 0 : i32
      %dma_start3A_40 = tpu.memref_slice %arg3[%add3A_38, %dma_start3A_39] : memref<98304x1024xf32, #tpu.memory_space<hbm>> -> memref<32x1024xf32, #tpu.memory_space<hbm>>
      %dma_start3A_41 = arith.constant 0 : i32
      %dma_start3A_42 = tpu.memref_slice %arg3[%add3A_38, %dma_start3A_41] : memref<98304x1024xf32, #tpu.memory_space<hbm>> -> memref<32x1024xf32, #tpu.memory_space<hbm>>
      tpu.enqueue_dma source(%arg4 : memref<32x1024xf32, #tpu.memory_space<vmem>>) target(%dma_start3A_42 : memref<32x1024xf32, #tpu.memory_space<hbm>>) target_semaphore(%arg8 : memref<!tpu.dma_semaphore, #tpu.memory_space<semaphore_mem>>)
      %ge3A = arith.constant 1 : i32
      %ge3A_43 = arith.cmpi sge, %add3A_28, %ge3A : i32
      %convert_element_type3A = arith.extui %ge3A_43 : i1 to i32
      %cond3A = arith.constant 0 : i32
      %cond3A_44 = arith.cmpi ne, %convert_element_type3A, %cond3A : i32
      scf.if %cond3A_44 {
        %sub3A = arith.constant 1 : i32
        %sub3A_111 = arith.subi %add3A_28, %sub3A : i32
        %mul3A_112 = arith.constant 32 : i32
        %mul3A_113 = arith.muli %sub3A_111, %mul3A_112 : i32
        %add3A_114 = arith.addi %mul3A_2, %mul3A_113 : i32
        %dma_wait3A_115 = arith.constant 0 : i32
        %dma_wait3A_116 = tpu.memref_slice %arg3[%add3A_114, %dma_wait3A_115] : memref<98304x1024xf32, #tpu.memory_space<hbm>> -> memref<32x1024xf32, #tpu.memory_space<hbm>>
        %dma_wait3A_117 = arith.constant 0 : i32
        %dma_wait3A_118 = tpu.memref_slice %arg3[%add3A_114, %dma_wait3A_117] : memref<98304x1024xf32, #tpu.memory_space<hbm>> -> memref<32x1024xf32, #tpu.memory_space<hbm>>
        tpu.wait_dma2 semaphore(%arg8 : memref<!tpu.dma_semaphore, #tpu.memory_space<semaphore_mem>>) src(%arg6 : memref<32x1024xf32, #tpu.memory_space<vmem>>) dst(%dma_wait3A_118 : memref<32x1024xf32, #tpu.memory_space<hbm>>)
      } else {
      }
      %add3A_45 = arith.constant 2 : i32
      %add3A_46 = arith.addi %add3A_28, %add3A_45 : i32
      %lt3A = arith.constant 96 : i32
      %lt3A_47 = arith.cmpi slt, %add3A_46, %lt3A : i32
      %convert_element_type3A_48 = arith.extui %lt3A_47 : i1 to i32
      %cond3A_49 = arith.constant 0 : i32
      %cond3A_50 = arith.cmpi ne, %convert_element_type3A_48, %cond3A_49 : i32
      scf.if %cond3A_50 {
        %add3A_111 = arith.constant 2 : i32
        %add3A_112 = arith.addi %add3A_28, %add3A_111 : i32
        %mul3A_113 = arith.constant 32 : i32
        %mul3A_114 = arith.muli %add3A_112, %mul3A_113 : i32
        %add3A_115 = arith.addi %mul3A_2, %mul3A_114 : i32
        %dma_start3A_116 = arith.constant 0 : i32
        %dma_start3A_117 = tpu.memref_slice %arg2[%add3A_115, %dma_start3A_116] : memref<98304x1024xf32, #tpu.memory_space<hbm>> -> memref<32x1024xf32, #tpu.memory_space<hbm>>
        %dma_start3A_118 = arith.constant 0 : i32
        %dma_start3A_119 = tpu.memref_slice %arg2[%add3A_115, %dma_start3A_118] : memref<98304x1024xf32, #tpu.memory_space<hbm>> -> memref<32x1024xf32, #tpu.memory_space<hbm>>
        tpu.enqueue_dma source(%dma_start3A_119 : memref<32x1024xf32, #tpu.memory_space<hbm>>) target(%arg6 : memref<32x1024xf32, #tpu.memory_space<vmem>>) target_semaphore(%arg7 : memref<!tpu.dma_semaphore, #tpu.memory_space<semaphore_mem>>)
      } else {
      }
      %mul3A_51 = arith.constant 3 : i32
      %mul3A_52 = arith.muli %mul3A_51, %scan3A_24 : i32
      %add3A_53 = arith.constant 1 : i32
      %add3A_54 = arith.addi %mul3A_52, %add3A_53 : i32
      %mul3A_55 = arith.constant 32 : i32
      %mul3A_56 = arith.muli %add3A_54, %mul3A_55 : i32
      %add3A_57 = arith.addi %mul3A_2, %mul3A_56 : i32
      %dma_wait3A_58 = arith.constant 0 : i32
      %dma_wait3A_59 = tpu.memref_slice %arg2[%add3A_57, %dma_wait3A_58] : memref<98304x1024xf32, #tpu.memory_space<hbm>> -> memref<32x1024xf32, #tpu.memory_space<hbm>>
      %dma_wait3A_60 = arith.constant 0 : i32
      %dma_wait3A_61 = tpu.memref_slice %arg2[%add3A_57, %dma_wait3A_60] : memref<98304x1024xf32, #tpu.memory_space<hbm>> -> memref<32x1024xf32, #tpu.memory_space<hbm>>
      tpu.wait_dma2 semaphore(%arg7 : memref<!tpu.dma_semaphore, #tpu.memory_space<semaphore_mem>>) src(%dma_wait3A_61 : memref<32x1024xf32, #tpu.memory_space<hbm>>) dst(%arg5 : memref<32x1024xf32, #tpu.memory_space<vmem>>)
      %mul3A_62 = arith.constant 32 : i32
      %mul3A_63 = arith.muli %add3A_54, %mul3A_62 : i32
      %add3A_64 = arith.addi %mul3A_2, %mul3A_63 : i32
      %dma_start3A_65 = arith.constant 0 : i32
      %dma_start3A_66 = tpu.memref_slice %arg3[%add3A_64, %dma_start3A_65] : memref<98304x1024xf32, #tpu.memory_space<hbm>> -> memref<32x1024xf32, #tpu.memory_space<hbm>>
      %dma_start3A_67 = arith.constant 0 : i32
      %dma_start3A_68 = tpu.memref_slice %arg3[%add3A_64, %dma_start3A_67] : memref<98304x1024xf32, #tpu.memory_space<hbm>> -> memref<32x1024xf32, #tpu.memory_space<hbm>>
      tpu.enqueue_dma source(%arg5 : memref<32x1024xf32, #tpu.memory_space<vmem>>) target(%dma_start3A_68 : memref<32x1024xf32, #tpu.memory_space<hbm>>) target_semaphore(%arg8 : memref<!tpu.dma_semaphore, #tpu.memory_space<semaphore_mem>>)
      %ge3A_69 = arith.constant 1 : i32
      %ge3A_70 = arith.cmpi sge, %add3A_54, %ge3A_69 : i32
      %convert_element_type3A_71 = arith.extui %ge3A_70 : i1 to i32
      %cond3A_72 = arith.constant 0 : i32
      %cond3A_73 = arith.cmpi ne, %convert_element_type3A_71, %cond3A_72 : i32
      scf.if %cond3A_73 {
        %sub3A = arith.constant 1 : i32
        %sub3A_111 = arith.subi %add3A_54, %sub3A : i32
        %mul3A_112 = arith.constant 32 : i32
        %mul3A_113 = arith.muli %sub3A_111, %mul3A_112 : i32
        %add3A_114 = arith.addi %mul3A_2, %mul3A_113 : i32
        %dma_wait3A_115 = arith.constant 0 : i32
        %dma_wait3A_116 = tpu.memref_slice %arg3[%add3A_114, %dma_wait3A_115] : memref<98304x1024xf32, #tpu.memory_space<hbm>> -> memref<32x1024xf32, #tpu.memory_space<hbm>>
        %dma_wait3A_117 = arith.constant 0 : i32
        %dma_wait3A_118 = tpu.memref_slice %arg3[%add3A_114, %dma_wait3A_117] : memref<98304x1024xf32, #tpu.memory_space<hbm>> -> memref<32x1024xf32, #tpu.memory_space<hbm>>
        tpu.wait_dma2 semaphore(%arg8 : memref<!tpu.dma_semaphore, #tpu.memory_space<semaphore_mem>>) src(%arg4 : memref<32x1024xf32, #tpu.memory_space<vmem>>) dst(%dma_wait3A_118 : memref<32x1024xf32, #tpu.memory_space<hbm>>)
      } else {
      }
      %add3A_74 = arith.constant 2 : i32
      %add3A_75 = arith.addi %add3A_54, %add3A_74 : i32
      %lt3A_76 = arith.constant 96 : i32
      %lt3A_77 = arith.cmpi slt, %add3A_75, %lt3A_76 : i32
      %convert_element_type3A_78 = arith.extui %lt3A_77 : i1 to i32
      %cond3A_79 = arith.constant 0 : i32
      %cond3A_80 = arith.cmpi ne, %convert_element_type3A_78, %cond3A_79 : i32
      scf.if %cond3A_80 {
        %add3A_111 = arith.constant 2 : i32
        %add3A_112 = arith.addi %add3A_54, %add3A_111 : i32
        %mul3A_113 = arith.constant 32 : i32
        %mul3A_114 = arith.muli %add3A_112, %mul3A_113 : i32
        %add3A_115 = arith.addi %mul3A_2, %mul3A_114 : i32
        %dma_start3A_116 = arith.constant 0 : i32
        %dma_start3A_117 = tpu.memref_slice %arg2[%add3A_115, %dma_start3A_116] : memref<98304x1024xf32, #tpu.memory_space<hbm>> -> memref<32x1024xf32, #tpu.memory_space<hbm>>
        %dma_start3A_118 = arith.constant 0 : i32
        %dma_start3A_119 = tpu.memref_slice %arg2[%add3A_115, %dma_start3A_118] : memref<98304x1024xf32, #tpu.memory_space<hbm>> -> memref<32x1024xf32, #tpu.memory_space<hbm>>
        tpu.enqueue_dma source(%dma_start3A_119 : memref<32x1024xf32, #tpu.memory_space<hbm>>) target(%arg4 : memref<32x1024xf32, #tpu.memory_space<vmem>>) target_semaphore(%arg7 : memref<!tpu.dma_semaphore, #tpu.memory_space<semaphore_mem>>)
      } else {
      }
      %mul3A_81 = arith.constant 3 : i32
      %mul3A_82 = arith.muli %mul3A_81, %scan3A_24 : i32
      %add3A_83 = arith.constant 2 : i32
      %add3A_84 = arith.addi %mul3A_82, %add3A_83 : i32
      %mul3A_85 = arith.constant 32 : i32
      %mul3A_86 = arith.muli %add3A_84, %mul3A_85 : i32
      %add3A_87 = arith.addi %mul3A_2, %mul3A_86 : i32
      %dma_wait3A_88 = arith.constant 0 : i32
      %dma_wait3A_89 = tpu.memref_slice %arg2[%add3A_87, %dma_wait3A_88] : memref<98304x1024xf32, #tpu.memory_space<hbm>> -> memref<32x1024xf32, #tpu.memory_space<hbm>>
      %dma_wait3A_90 = arith.constant 0 : i32
      %dma_wait3A_91 = tpu.memref_slice %arg2[%add3A_87, %dma_wait3A_90] : memref<98304x1024xf32, #tpu.memory_space<hbm>> -> memref<32x1024xf32, #tpu.memory_space<hbm>>
      tpu.wait_dma2 semaphore(%arg7 : memref<!tpu.dma_semaphore, #tpu.memory_space<semaphore_mem>>) src(%dma_wait3A_91 : memref<32x1024xf32, #tpu.memory_space<hbm>>) dst(%arg6 : memref<32x1024xf32, #tpu.memory_space<vmem>>)
      %mul3A_92 = arith.constant 32 : i32
      %mul3A_93 = arith.muli %add3A_84, %mul3A_92 : i32
      %add3A_94 = arith.addi %mul3A_2, %mul3A_93 : i32
      %dma_start3A_95 = arith.constant 0 : i32
      %dma_start3A_96 = tpu.memref_slice %arg3[%add3A_94, %dma_start3A_95] : memref<98304x1024xf32, #tpu.memory_space<hbm>> -> memref<32x1024xf32, #tpu.memory_space<hbm>>
      %dma_start3A_97 = arith.constant 0 : i32
      %dma_start3A_98 = tpu.memref_slice %arg3[%add3A_94, %dma_start3A_97] : memref<98304x1024xf32, #tpu.memory_space<hbm>> -> memref<32x1024xf32, #tpu.memory_space<hbm>>
      tpu.enqueue_dma source(%arg6 : memref<32x1024xf32, #tpu.memory_space<vmem>>) target(%dma_start3A_98 : memref<32x1024xf32, #tpu.memory_space<hbm>>) target_semaphore(%arg8 : memref<!tpu.dma_semaphore, #tpu.memory_space<semaphore_mem>>)
      %ge3A_99 = arith.constant 1 : i32
      %ge3A_100 = arith.cmpi sge, %add3A_84, %ge3A_99 : i32
      %convert_element_type3A_101 = arith.extui %ge3A_100 : i1 to i32
      %cond3A_102 = arith.constant 0 : i32
      %cond3A_103 = arith.cmpi ne, %convert_element_type3A_101, %cond3A_102 : i32
      scf.if %cond3A_103 {
        %sub3A = arith.constant 1 : i32
        %sub3A_111 = arith.subi %add3A_84, %sub3A : i32
        %mul3A_112 = arith.constant 32 : i32
        %mul3A_113 = arith.muli %sub3A_111, %mul3A_112 : i32
        %add3A_114 = arith.addi %mul3A_2, %mul3A_113 : i32
        %dma_wait3A_115 = arith.constant 0 : i32
        %dma_wait3A_116 = tpu.memref_slice %arg3[%add3A_114, %dma_wait3A_115] : memref<98304x1024xf32, #tpu.memory_space<hbm>> -> memref<32x1024xf32, #tpu.memory_space<hbm>>
        %dma_wait3A_117 = arith.constant 0 : i32
        %dma_wait3A_118 = tpu.memref_slice %arg3[%add3A_114, %dma_wait3A_117] : memref<98304x1024xf32, #tpu.memory_space<hbm>> -> memref<32x1024xf32, #tpu.memory_space<hbm>>
        tpu.wait_dma2 semaphore(%arg8 : memref<!tpu.dma_semaphore, #tpu.memory_space<semaphore_mem>>) src(%arg5 : memref<32x1024xf32, #tpu.memory_space<vmem>>) dst(%dma_wait3A_118 : memref<32x1024xf32, #tpu.memory_space<hbm>>)
      } else {
      }
      %add3A_104 = arith.constant 2 : i32
      %add3A_105 = arith.addi %add3A_84, %add3A_104 : i32
      %lt3A_106 = arith.constant 96 : i32
      %lt3A_107 = arith.cmpi slt, %add3A_105, %lt3A_106 : i32
      %convert_element_type3A_108 = arith.extui %lt3A_107 : i1 to i32
      %cond3A_109 = arith.constant 0 : i32
      %cond3A_110 = arith.cmpi ne, %convert_element_type3A_108, %cond3A_109 : i32
      scf.if %cond3A_110 {
        %add3A_111 = arith.constant 2 : i32
        %add3A_112 = arith.addi %add3A_84, %add3A_111 : i32
        %mul3A_113 = arith.constant 32 : i32
        %mul3A_114 = arith.muli %add3A_112, %mul3A_113 : i32
        %add3A_115 = arith.addi %mul3A_2, %mul3A_114 : i32
        %dma_start3A_116 = arith.constant 0 : i32
        %dma_start3A_117 = tpu.memref_slice %arg2[%add3A_115, %dma_start3A_116] : memref<98304x1024xf32, #tpu.memory_space<hbm>> -> memref<32x1024xf32, #tpu.memory_space<hbm>>
        %dma_start3A_118 = arith.constant 0 : i32
        %dma_start3A_119 = tpu.memref_slice %arg2[%add3A_115, %dma_start3A_118] : memref<98304x1024xf32, #tpu.memory_space<hbm>> -> memref<32x1024xf32, #tpu.memory_space<hbm>>
        tpu.enqueue_dma source(%dma_start3A_119 : memref<32x1024xf32, #tpu.memory_space<hbm>>) target(%arg5 : memref<32x1024xf32, #tpu.memory_space<vmem>>) target_semaphore(%arg7 : memref<!tpu.dma_semaphore, #tpu.memory_space<semaphore_mem>>)
      } else {
      }
    }
    %scan3A_18 = arith.constant 32 : i32
    %add3A_19 = arith.constant 3040 : i32
    %add3A_20 = arith.addi %mul3A_2, %add3A_19 : i32
    %dma_wait3A = arith.constant 0 : i32
    %dma_wait3A_21 = tpu.memref_slice %arg3[%add3A_20, %dma_wait3A] : memref<98304x1024xf32, #tpu.memory_space<hbm>> -> memref<32x1024xf32, #tpu.memory_space<hbm>>
    %dma_wait3A_22 = arith.constant 0 : i32
    %dma_wait3A_23 = tpu.memref_slice %arg3[%add3A_20, %dma_wait3A_22] : memref<98304x1024xf32, #tpu.memory_space<hbm>> -> memref<32x1024xf32, #tpu.memory_space<hbm>>
    tpu.wait_dma2 semaphore(%arg8 : memref<!tpu.dma_semaphore, #tpu.memory_space<semaphore_mem>>) src(%arg6 : memref<32x1024xf32, #tpu.memory_space<vmem>>) dst(%dma_wait3A_23 : memref<32x1024xf32, #tpu.memory_space<hbm>>)
    return
  }
}

module attributes {stable_mosaic.version = 14 : i64} {
  func.func @_gcn_body(%arg0: i32, %arg1: i32, %arg2: memref<1x1024x192xf32, #tpu.memory_space<vmem>>, %arg3: memref<1x12x256x1024xf32, #tpu.memory_space<vmem>>, %arg4: memref<192x192xf32, #tpu.memory_space<vmem>>, %arg5: memref<1x192xf32, #tpu.memory_space<vmem>>, %arg6: memref<1x256x192xf32, #tpu.memory_space<vmem>>, %arg7: memref<1024x192xf32, #tpu.memory_space<vmem>>) attributes {dimension_semantics = [#tpu.dimension_semantics<arbitrary>, #tpu.dimension_semantics<arbitrary>], iteration_bounds = array<i64: 8, 4>, scalar_prefetch = 0 : i64, scratch_operands = 1 : i64, tpu.core_type = #tpu.core_type<tc>, window_params = [{transform_indices = @transform_0, window_bounds = array<i64: 1, 1024, 192>}, {transform_indices = @transform_1, window_bounds = array<i64: 1, 12, 256, 1024>}, {pipeline_mode = #tpu.pipeline_mode<synchronous>, transform_indices = @transform_2, window_bounds = array<i64: 192, 192>}, {pipeline_mode = #tpu.pipeline_mode<synchronous>, transform_indices = @transform_3, window_bounds = array<i64: 1, 192>}, {transform_indices = @transform_4, window_bounds = array<i64: 1, 256, 192>}]} {
    %eq3A = arith.constant 0 : i32
    %eq3A_0 = arith.cmpi eq, %arg1, %eq3A : i32
    %convert_element_type3A = arith.extui %eq3A_0 : i1 to i32
    %cond3A = arith.constant 0 : i32
    %cond3A_1 = arith.cmpi ne, %convert_element_type3A, %cond3A : i32
    scf.if %cond3A_1 {
      %get3A_179 = arith.constant 0 : index
      %get3A_180 = arith.constant 0 : index
      %get3A_181 = arith.constant 0 : index
      %get3A_182 = vector.load %arg2[%get3A_179, %get3A_180, %get3A_181] : memref<1x1024x192xf32, #tpu.memory_space<vmem>>, vector<1x1024x192xf32>
      %get3A_183 = vector.shape_cast %get3A_182 : vector<1x1024x192xf32> to vector<1024x192xf32>
      %convert_element_type3A_184 = arith.truncf %get3A_183 : vector<1024x192xf32> to vector<1024x192xbf16>
      %get3A_185 = arith.constant 0 : index
      %get3A_186 = arith.constant 0 : index
      %get3A_187 = vector.load %arg4[%get3A_185, %get3A_186] : memref<192x192xf32, #tpu.memory_space<vmem>>, vector<192x192xf32>
      %convert_element_type3A_188 = arith.truncf %get3A_187 : vector<192x192xf32> to vector<192x192xbf16>
      %dot_general3A_189 = arith.constant dense<0.000000e+00> : vector<1024x192xf32>
      %dot_general3A_190 = tpu.matmul %convert_element_type3A_184, %convert_element_type3A_188, %dot_general3A_189 {dimension_numbers = #tpu.dot_dimension_numbers<[1], [0], [0], [1], [0, 0, 1, 1], [], []>, transpose_lhs_hint = false} : vector<1024x192xbf16>, vector<192x192xbf16>, vector<1024x192xf32> -> vector<1024x192xf32>
      %swap3A_191 = arith.constant 0 : index
      %swap3A_192 = arith.constant 0 : index
      %swap3A_193 = vector.load %arg7[%swap3A_191, %swap3A_192] : memref<1024x192xf32, #tpu.memory_space<vmem>>, vector<1024x192xf32>
      tpu.vector_store %arg7[%swap3A_191, %swap3A_192], %dot_general3A_190 {strides = array<i32>} : memref<1024x192xf32, #tpu.memory_space<vmem>>, vector<1024x192xf32>,
    } else {
    }
    %get3A = arith.constant 0 : index
    %get3A_2 = arith.constant 0 : index
    %get3A_3 = arith.constant 0 : index
    %get3A_4 = arith.constant 0 : index
    %get3A_5 = vector.load %arg3[%get3A, %get3A_2, %get3A_3, %get3A_4] : memref<1x12x256x1024xf32, #tpu.memory_space<vmem>>, vector<1x1x256x1024xf32>
    %get3A_6 = vector.shape_cast %get3A_5 : vector<1x1x256x1024xf32> to vector<256x1024xf32>
    %convert_element_type3A_7 = arith.truncf %get3A_6 : vector<256x1024xf32> to vector<256x1024xbf16>
    %get3A_8 = arith.constant 0 : index
    %get3A_9 = arith.constant 0 : index
    %get3A_10 = vector.load %arg7[%get3A_8, %get3A_9] : memref<1024x192xf32, #tpu.memory_space<vmem>>, vector<1024x16xf32>
    %convert_element_type3A_11 = arith.truncf %get3A_10 : vector<1024x16xf32> to vector<1024x16xbf16>
    %dot_general3A = arith.constant dense<0.000000e+00> : vector<256x16xf32>
    %dot_general3A_12 = tpu.matmul %convert_element_type3A_7, %convert_element_type3A_11, %dot_general3A {dimension_numbers = #tpu.dot_dimension_numbers<[1], [0], [0], [1], [0, 0, 1, 1], [], []>, transpose_lhs_hint = false} : vector<256x1024xbf16>, vector<1024x16xbf16>, vector<256x16xf32> -> vector<256x16xf32>
    %get3A_13 = arith.constant 0 : index
    %get3A_14 = arith.constant 1 : index
    %get3A_15 = arith.constant 0 : index
    %get3A_16 = arith.constant 0 : index
    %get3A_17 = vector.load %arg3[%get3A_13, %get3A_14, %get3A_15, %get3A_16] : memref<1x12x256x1024xf32, #tpu.memory_space<vmem>>, vector<1x1x256x1024xf32>
    %get3A_18 = vector.shape_cast %get3A_17 : vector<1x1x256x1024xf32> to vector<256x1024xf32>
    %convert_element_type3A_19 = arith.truncf %get3A_18 : vector<256x1024xf32> to vector<256x1024xbf16>
    %get3A_20 = arith.constant 0 : index
    %get3A_21 = arith.constant 16 : index
    %get3A_22 = vector.load %arg7[%get3A_20, %get3A_21] : memref<1024x192xf32, #tpu.memory_space<vmem>>, vector<1024x16xf32>
    %convert_element_type3A_23 = arith.truncf %get3A_22 : vector<1024x16xf32> to vector<1024x16xbf16>
    %dot_general3A_24 = arith.constant dense<0.000000e+00> : vector<256x16xf32>
    %dot_general3A_25 = tpu.matmul %convert_element_type3A_19, %convert_element_type3A_23, %dot_general3A_24 {dimension_numbers = #tpu.dot_dimension_numbers<[1], [0], [0], [1], [0, 0, 1, 1], [], []>, transpose_lhs_hint = false} : vector<256x1024xbf16>, vector<1024x16xbf16>, vector<256x16xf32> -> vector<256x16xf32>
    %get3A_26 = arith.constant 0 : index
    %get3A_27 = arith.constant 2 : index
    %get3A_28 = arith.constant 0 : index
    %get3A_29 = arith.constant 0 : index
    %get3A_30 = vector.load %arg3[%get3A_26, %get3A_27, %get3A_28, %get3A_29] : memref<1x12x256x1024xf32, #tpu.memory_space<vmem>>, vector<1x1x256x1024xf32>
    %get3A_31 = vector.shape_cast %get3A_30 : vector<1x1x256x1024xf32> to vector<256x1024xf32>
    %convert_element_type3A_32 = arith.truncf %get3A_31 : vector<256x1024xf32> to vector<256x1024xbf16>
    %get3A_33 = arith.constant 0 : index
    %get3A_34 = arith.constant 32 : index
    %get3A_35 = vector.load %arg7[%get3A_33, %get3A_34] : memref<1024x192xf32, #tpu.memory_space<vmem>>, vector<1024x16xf32>
    %convert_element_type3A_36 = arith.truncf %get3A_35 : vector<1024x16xf32> to vector<1024x16xbf16>
    %dot_general3A_37 = arith.constant dense<0.000000e+00> : vector<256x16xf32>
    %dot_general3A_38 = tpu.matmul %convert_element_type3A_32, %convert_element_type3A_36, %dot_general3A_37 {dimension_numbers = #tpu.dot_dimension_numbers<[1], [0], [0], [1], [0, 0, 1, 1], [], []>, transpose_lhs_hint = false} : vector<256x1024xbf16>, vector<1024x16xbf16>, vector<256x16xf32> -> vector<256x16xf32>
    %get3A_39 = arith.constant 0 : index
    %get3A_40 = arith.constant 3 : index
    %get3A_41 = arith.constant 0 : index
    %get3A_42 = arith.constant 0 : index
    %get3A_43 = vector.load %arg3[%get3A_39, %get3A_40, %get3A_41, %get3A_42] : memref<1x12x256x1024xf32, #tpu.memory_space<vmem>>, vector<1x1x256x1024xf32>
    %get3A_44 = vector.shape_cast %get3A_43 : vector<1x1x256x1024xf32> to vector<256x1024xf32>
    %convert_element_type3A_45 = arith.truncf %get3A_44 : vector<256x1024xf32> to vector<256x1024xbf16>
    %get3A_46 = arith.constant 0 : index
    %get3A_47 = arith.constant 48 : index
    %get3A_48 = vector.load %arg7[%get3A_46, %get3A_47] : memref<1024x192xf32, #tpu.memory_space<vmem>>, vector<1024x16xf32>
    %convert_element_type3A_49 = arith.truncf %get3A_48 : vector<1024x16xf32> to vector<1024x16xbf16>
    %dot_general3A_50 = arith.constant dense<0.000000e+00> : vector<256x16xf32>
    %dot_general3A_51 = tpu.matmul %convert_element_type3A_45, %convert_element_type3A_49, %dot_general3A_50 {dimension_numbers = #tpu.dot_dimension_numbers<[1], [0], [0], [1], [0, 0, 1, 1], [], []>, transpose_lhs_hint = false} : vector<256x1024xbf16>, vector<1024x16xbf16>, vector<256x16xf32> -> vector<256x16xf32>
    %get3A_52 = arith.constant 0 : index
    %get3A_53 = arith.constant 4 : index
    %get3A_54 = arith.constant 0 : index
    %get3A_55 = arith.constant 0 : index
    %get3A_56 = vector.load %arg3[%get3A_52, %get3A_53, %get3A_54, %get3A_55] : memref<1x12x256x1024xf32, #tpu.memory_space<vmem>>, vector<1x1x256x1024xf32>
    %get3A_57 = vector.shape_cast %get3A_56 : vector<1x1x256x1024xf32> to vector<256x1024xf32>
    %convert_element_type3A_58 = arith.truncf %get3A_57 : vector<256x1024xf32> to vector<256x1024xbf16>
    %get3A_59 = arith.constant 0 : index
    %get3A_60 = arith.constant 64 : index
    %get3A_61 = vector.load %arg7[%get3A_59, %get3A_60] : memref<1024x192xf32, #tpu.memory_space<vmem>>, vector<1024x16xf32>
    %convert_element_type3A_62 = arith.truncf %get3A_61 : vector<1024x16xf32> to vector<1024x16xbf16>
    %dot_general3A_63 = arith.constant dense<0.000000e+00> : vector<256x16xf32>
    %dot_general3A_64 = tpu.matmul %convert_element_type3A_58, %convert_element_type3A_62, %dot_general3A_63 {dimension_numbers = #tpu.dot_dimension_numbers<[1], [0], [0], [1], [0, 0, 1, 1], [], []>, transpose_lhs_hint = false} : vector<256x1024xbf16>, vector<1024x16xbf16>, vector<256x16xf32> -> vector<256x16xf32>
    %get3A_65 = arith.constant 0 : index
    %get3A_66 = arith.constant 5 : index
    %get3A_67 = arith.constant 0 : index
    %get3A_68 = arith.constant 0 : index
    %get3A_69 = vector.load %arg3[%get3A_65, %get3A_66, %get3A_67, %get3A_68] : memref<1x12x256x1024xf32, #tpu.memory_space<vmem>>, vector<1x1x256x1024xf32>
    %get3A_70 = vector.shape_cast %get3A_69 : vector<1x1x256x1024xf32> to vector<256x1024xf32>
    %convert_element_type3A_71 = arith.truncf %get3A_70 : vector<256x1024xf32> to vector<256x1024xbf16>
    %get3A_72 = arith.constant 0 : index
    %get3A_73 = arith.constant 80 : index
    %get3A_74 = vector.load %arg7[%get3A_72, %get3A_73] : memref<1024x192xf32, #tpu.memory_space<vmem>>, vector<1024x16xf32>
    %convert_element_type3A_75 = arith.truncf %get3A_74 : vector<1024x16xf32> to vector<1024x16xbf16>
    %dot_general3A_76 = arith.constant dense<0.000000e+00> : vector<256x16xf32>
    %dot_general3A_77 = tpu.matmul %convert_element_type3A_71, %convert_element_type3A_75, %dot_general3A_76 {dimension_numbers = #tpu.dot_dimension_numbers<[1], [0], [0], [1], [0, 0, 1, 1], [], []>, transpose_lhs_hint = false} : vector<256x1024xbf16>, vector<1024x16xbf16>, vector<256x16xf32> -> vector<256x16xf32>
    %get3A_78 = arith.constant 0 : index
    %get3A_79 = arith.constant 6 : index
    %get3A_80 = arith.constant 0 : index
    %get3A_81 = arith.constant 0 : index
    %get3A_82 = vector.load %arg3[%get3A_78, %get3A_79, %get3A_80, %get3A_81] : memref<1x12x256x1024xf32, #tpu.memory_space<vmem>>, vector<1x1x256x1024xf32>
    %get3A_83 = vector.shape_cast %get3A_82 : vector<1x1x256x1024xf32> to vector<256x1024xf32>
    %convert_element_type3A_84 = arith.truncf %get3A_83 : vector<256x1024xf32> to vector<256x1024xbf16>
    %get3A_85 = arith.constant 0 : index
    %get3A_86 = arith.constant 96 : index
    %get3A_87 = vector.load %arg7[%get3A_85, %get3A_86] : memref<1024x192xf32, #tpu.memory_space<vmem>>, vector<1024x16xf32>
    %convert_element_type3A_88 = arith.truncf %get3A_87 : vector<1024x16xf32> to vector<1024x16xbf16>
    %dot_general3A_89 = arith.constant dense<0.000000e+00> : vector<256x16xf32>
    %dot_general3A_90 = tpu.matmul %convert_element_type3A_84, %convert_element_type3A_88, %dot_general3A_89 {dimension_numbers = #tpu.dot_dimension_numbers<[1], [0], [0], [1], [0, 0, 1, 1], [], []>, transpose_lhs_hint = false} : vector<256x1024xbf16>, vector<1024x16xbf16>, vector<256x16xf32> -> vector<256x16xf32>
    %get3A_91 = arith.constant 0 : index
    %get3A_92 = arith.constant 7 : index
    %get3A_93 = arith.constant 0 : index
    %get3A_94 = arith.constant 0 : index
    %get3A_95 = vector.load %arg3[%get3A_91, %get3A_92, %get3A_93, %get3A_94] : memref<1x12x256x1024xf32, #tpu.memory_space<vmem>>, vector<1x1x256x1024xf32>
    %get3A_96 = vector.shape_cast %get3A_95 : vector<1x1x256x1024xf32> to vector<256x1024xf32>
    %convert_element_type3A_97 = arith.truncf %get3A_96 : vector<256x1024xf32> to vector<256x1024xbf16>
    %get3A_98 = arith.constant 0 : index
    %get3A_99 = arith.constant 112 : index
    %get3A_100 = vector.load %arg7[%get3A_98, %get3A_99] : memref<1024x192xf32, #tpu.memory_space<vmem>>, vector<1024x16xf32>
    %convert_element_type3A_101 = arith.truncf %get3A_100 : vector<1024x16xf32> to vector<1024x16xbf16>
    %dot_general3A_102 = arith.constant dense<0.000000e+00> : vector<256x16xf32>
    %dot_general3A_103 = tpu.matmul %convert_element_type3A_97, %convert_element_type3A_101, %dot_general3A_102 {dimension_numbers = #tpu.dot_dimension_numbers<[1], [0], [0], [1], [0, 0, 1, 1], [], []>, transpose_lhs_hint = false} : vector<256x1024xbf16>, vector<1024x16xbf16>, vector<256x16xf32> -> vector<256x16xf32>
    %get3A_104 = arith.constant 0 : index
    %get3A_105 = arith.constant 8 : index
    %get3A_106 = arith.constant 0 : index
    %get3A_107 = arith.constant 0 : index
    %get3A_108 = vector.load %arg3[%get3A_104, %get3A_105, %get3A_106, %get3A_107] : memref<1x12x256x1024xf32, #tpu.memory_space<vmem>>, vector<1x1x256x1024xf32>
    %get3A_109 = vector.shape_cast %get3A_108 : vector<1x1x256x1024xf32> to vector<256x1024xf32>
    %convert_element_type3A_110 = arith.truncf %get3A_109 : vector<256x1024xf32> to vector<256x1024xbf16>
    %get3A_111 = arith.constant 0 : index
    %get3A_112 = arith.constant 128 : index
    %get3A_113 = vector.load %arg7[%get3A_111, %get3A_112] : memref<1024x192xf32, #tpu.memory_space<vmem>>, vector<1024x16xf32>
    %convert_element_type3A_114 = arith.truncf %get3A_113 : vector<1024x16xf32> to vector<1024x16xbf16>
    %dot_general3A_115 = arith.constant dense<0.000000e+00> : vector<256x16xf32>
    %dot_general3A_116 = tpu.matmul %convert_element_type3A_110, %convert_element_type3A_114, %dot_general3A_115 {dimension_numbers = #tpu.dot_dimension_numbers<[1], [0], [0], [1], [0, 0, 1, 1], [], []>, transpose_lhs_hint = false} : vector<256x1024xbf16>, vector<1024x16xbf16>, vector<256x16xf32> -> vector<256x16xf32>
    %get3A_117 = arith.constant 0 : index
    %get3A_118 = arith.constant 9 : index
    %get3A_119 = arith.constant 0 : index
    %get3A_120 = arith.constant 0 : index
    %get3A_121 = vector.load %arg3[%get3A_117, %get3A_118, %get3A_119, %get3A_120] : memref<1x12x256x1024xf32, #tpu.memory_space<vmem>>, vector<1x1x256x1024xf32>
    %get3A_122 = vector.shape_cast %get3A_121 : vector<1x1x256x1024xf32> to vector<256x1024xf32>
    %convert_element_type3A_123 = arith.truncf %get3A_122 : vector<256x1024xf32> to vector<256x1024xbf16>
    %get3A_124 = arith.constant 0 : index
    %get3A_125 = arith.constant 144 : index
    %get3A_126 = vector.load %arg7[%get3A_124, %get3A_125] : memref<1024x192xf32, #tpu.memory_space<vmem>>, vector<1024x16xf32>
    %convert_element_type3A_127 = arith.truncf %get3A_126 : vector<1024x16xf32> to vector<1024x16xbf16>
    %dot_general3A_128 = arith.constant dense<0.000000e+00> : vector<256x16xf32>
    %dot_general3A_129 = tpu.matmul %convert_element_type3A_123, %convert_element_type3A_127, %dot_general3A_128 {dimension_numbers = #tpu.dot_dimension_numbers<[1], [0], [0], [1], [0, 0, 1, 1], [], []>, transpose_lhs_hint = false} : vector<256x1024xbf16>, vector<1024x16xbf16>, vector<256x16xf32> -> vector<256x16xf32>
    %get3A_130 = arith.constant 0 : index
    %get3A_131 = arith.constant 10 : index
    %get3A_132 = arith.constant 0 : index
    %get3A_133 = arith.constant 0 : index
    %get3A_134 = vector.load %arg3[%get3A_130, %get3A_131, %get3A_132, %get3A_133] : memref<1x12x256x1024xf32, #tpu.memory_space<vmem>>, vector<1x1x256x1024xf32>
    %get3A_135 = vector.shape_cast %get3A_134 : vector<1x1x256x1024xf32> to vector<256x1024xf32>
    %convert_element_type3A_136 = arith.truncf %get3A_135 : vector<256x1024xf32> to vector<256x1024xbf16>
    %get3A_137 = arith.constant 0 : index
    %get3A_138 = arith.constant 160 : index
    %get3A_139 = vector.load %arg7[%get3A_137, %get3A_138] : memref<1024x192xf32, #tpu.memory_space<vmem>>, vector<1024x16xf32>
    %convert_element_type3A_140 = arith.truncf %get3A_139 : vector<1024x16xf32> to vector<1024x16xbf16>
    %dot_general3A_141 = arith.constant dense<0.000000e+00> : vector<256x16xf32>
    %dot_general3A_142 = tpu.matmul %convert_element_type3A_136, %convert_element_type3A_140, %dot_general3A_141 {dimension_numbers = #tpu.dot_dimension_numbers<[1], [0], [0], [1], [0, 0, 1, 1], [], []>, transpose_lhs_hint = false} : vector<256x1024xbf16>, vector<1024x16xbf16>, vector<256x16xf32> -> vector<256x16xf32>
    %get3A_143 = arith.constant 0 : index
    %get3A_144 = arith.constant 11 : index
    %get3A_145 = arith.constant 0 : index
    %get3A_146 = arith.constant 0 : index
    %get3A_147 = vector.load %arg3[%get3A_143, %get3A_144, %get3A_145, %get3A_146] : memref<1x12x256x1024xf32, #tpu.memory_space<vmem>>, vector<1x1x256x1024xf32>
    %get3A_148 = vector.shape_cast %get3A_147 : vector<1x1x256x1024xf32> to vector<256x1024xf32>
    %convert_element_type3A_149 = arith.truncf %get3A_148 : vector<256x1024xf32> to vector<256x1024xbf16>
    %get3A_150 = arith.constant 0 : index
    %get3A_151 = arith.constant 176 : index
    %get3A_152 = vector.load %arg7[%get3A_150, %get3A_151] : memref<1024x192xf32, #tpu.memory_space<vmem>>, vector<1024x16xf32>
    %convert_element_type3A_153 = arith.truncf %get3A_152 : vector<1024x16xf32> to vector<1024x16xbf16>
    %dot_general3A_154 = arith.constant dense<0.000000e+00> : vector<256x16xf32>
    %dot_general3A_155 = tpu.matmul %convert_element_type3A_149, %convert_element_type3A_153, %dot_general3A_154 {dimension_numbers = #tpu.dot_dimension_numbers<[1], [0], [0], [1], [0, 0, 1, 1], [], []>, transpose_lhs_hint = false} : vector<256x1024xbf16>, vector<1024x16xbf16>, vector<256x16xf32> -> vector<256x16xf32>
    %concatenate3A = tpu.concatenate %dot_general3A_12, %dot_general3A_25, %dot_general3A_38, %dot_general3A_51, %dot_general3A_64, %dot_general3A_77, %dot_general3A_90, %dot_general3A_103, %dot_general3A_116, %dot_general3A_129, %dot_general3A_142, %dot_general3A_155 in 1 : vector<256x16xf32>, vector<256x16xf32>, vector<256x16xf32>, vector<256x16xf32>, vector<256x16xf32>, vector<256x16xf32>, vector<256x16xf32>, vector<256x16xf32>, vector<256x16xf32>, vector<256x16xf32>, vector<256x16xf32>, vector<256x16xf32> -> vector<256x192xf32>
    %get3A_156 = arith.constant 0 : index
    %get3A_157 = arith.constant 0 : index
    %get3A_158 = vector.load %arg5[%get3A_156, %get3A_157] : memref<1x192xf32, #tpu.memory_space<vmem>>, vector<1x192xf32>
    %add3A = vector.broadcast %get3A_158 : vector<1x192xf32> to vector<256x192xf32>
    %add3A_159 = arith.addf %concatenate3A, %add3A : vector<256x192xf32>
    %integer_pow3A = arith.mulf %add3A_159, %add3A_159 : vector<256x192xf32>
    %integer_pow3A_160 = arith.mulf %add3A_159, %integer_pow3A : vector<256x192xf32>
    %mul3A = arith.constant 4.471500e-02 : f32
    %mul3A_161 = vector.broadcast %mul3A : f32 to vector<256x192xf32>
    %mul3A_162 = arith.mulf %mul3A_161, %integer_pow3A_160 : vector<256x192xf32>
    %add3A_163 = arith.addf %add3A_159, %mul3A_162 : vector<256x192xf32>
    %mul3A_164 = arith.constant 0.797884583 : f32
    %mul3A_165 = vector.broadcast %mul3A_164 : f32 to vector<256x192xf32>
    %mul3A_166 = arith.mulf %mul3A_165, %add3A_163 : vector<256x192xf32>
    %tanh3A = math.tanh %mul3A_166 : vector<256x192xf32>
    %add3A_167 = arith.constant 1.000000e+00 : f32
    %add3A_168 = vector.broadcast %add3A_167 : f32 to vector<256x192xf32>
    %add3A_169 = arith.addf %add3A_168, %tanh3A : vector<256x192xf32>
    %mul3A_170 = arith.constant 5.000000e-01 : f32
    %mul3A_171 = vector.broadcast %mul3A_170 : f32 to vector<256x192xf32>
    %mul3A_172 = arith.mulf %mul3A_171, %add3A_169 : vector<256x192xf32>
    %mul3A_173 = arith.mulf %add3A_159, %mul3A_172 : vector<256x192xf32>
    %swap3A = arith.constant 0 : index
    %swap3A_174 = arith.constant 0 : index
    %swap3A_175 = arith.constant 0 : index
    %swap3A_176 = vector.load %arg6[%swap3A, %swap3A_174, %swap3A_175] : memref<1x256x192xf32, #tpu.memory_space<vmem>>, vector<1x256x192xf32>
    %swap3A_177 = vector.shape_cast %swap3A_176 : vector<1x256x192xf32> to vector<256x192xf32>
    %swap3A_178 = vector.shape_cast %mul3A_173 : vector<256x192xf32> to vector<1x256x192xf32>
    tpu.vector_store %arg6[%swap3A, %swap3A_174, %swap3A_175], %swap3A_178 {strides = array<i32>} : memref<1x256x192xf32, #tpu.memory_space<vmem>>, vector<1x256x192xf32>,
    return
  }
  func.func @transform_0(%arg0: i32, %arg1: i32) -> (i32, i32, i32) {
    %c0_i32 = arith.constant 0 : i32
    %c0_i32_0 = arith.constant 0 : i32
    %c0_i32_1 = arith.constant 0 : i32
    return %arg0, %c0_i32, %c0_i32_0 : i32, i32, i32
  }
  func.func @transform_1(%arg0: i32, %arg1: i32) -> (i32, i32, i32, i32) {
    %c0_i32 = arith.constant 0 : i32
    %c0_i32_0 = arith.constant 0 : i32
    %c0_i32_1 = arith.constant 0 : i32
    return %arg0, %c0_i32, %arg1, %c0_i32_0 : i32, i32, i32, i32
  }
  func.func @transform_2(%arg0: i32, %arg1: i32) -> (i32, i32) {
    %c0_i32 = arith.constant 0 : i32
    %c0_i32_0 = arith.constant 0 : i32
    %c0_i32_1 = arith.constant 0 : i32
    return %c0_i32, %c0_i32_0 : i32, i32
  }
  func.func @transform_3(%arg0: i32, %arg1: i32) -> (i32, i32) {
    %c0_i32 = arith.constant 0 : i32
    %c0_i32_0 = arith.constant 0 : i32
    %c0_i32_1 = arith.constant 0 : i32
    return %c0_i32, %c0_i32_0 : i32, i32
  }
  func.func @transform_4(%arg0: i32, %arg1: i32) -> (i32, i32, i32) {
    %c0_i32 = arith.constant 0 : i32
    %c0_i32_0 = arith.constant 0 : i32
    return %arg0, %arg1, %c0_i32 : i32, i32, i32
  }
}

</mosaic_0001>

<sc_bundles>
// kernel: kernel.4.cloned.1.call-start
scs
__scs_entry_jumppad:
0x0: {  	(pc) =	sbr.rel $0x88, $3  }
0x1: {  	(tag) =	ssettag $0x0;
	lr =	simm.s32 $0x1  }
0x2: {  	[smem:$0x3F9D] =	sst lr;
	_ =	strace $0xD0000000  }
0x3: {  	_ = 	snop  }
0x4: {  	_ = 	snop  }
0x5: {  	_ = 	snop  }
0x6: {  	_ = 	snop  }
0x7: {  	_ = 	snop  }
__scs_overlays_trampoline_lowered:
0x8: {  	[smem:$0x3FAC] =	sst s0  }
0x9: {  	[smem:$0x3FAD] =	sst s1  }
0xa: {  	[smem:$0x3FAE] =	sst s2  }
0xb: {  	[smem:$0x3FAF] =	sst s3  }
0xc: {  	[smem:$0x3FB0] =	sst s4  }
0xd: {  	[smem:$0x3FB1] =	sst s5  }
0xe: {  	[smem:$0x3FB2] =	sst s6  }
0xf: {  	[smem:$0x3FB3] =	sst s7  }
0x10: {  	[smem:$0x3FB4] =	sst s8  }
0x11: {  	[smem:$0x3FB5] =	sst s9;
	s0 =	simm.s32 @!p0 $0x0  }
0x12: {  	s1 =	sld [smem:$0x3F9B];
	s0 =	simm.s32 @p0 $0x1  }
0x13: {  	[smem:$0x3FB6] =	sst s0;
	s0 =	simm.s32 @!p1 $0x0  }
0x14: {  	s2 =	sld [smem:$0x3F9A];
	s0 =	simm.s32 @p1 $0x1  }
0x15: {  	[smem:$0x3FB7] =	sst s0;
	s0 =	simm.s32 @!p2 $0x0  }
0x16: {  	s3 =	sld [smem:$0x3FDB];
	s0 =	simm.s32 @p2 $0x1  }
0x17: {  	s4 =	simm.s32 $0x1BF5;
	[smem:$0x3FB9] =	sst s0  }
0x18: {  	s0 =	sld [smem:$0x3F9C];
	_ =	swait.ge [sflag:s4], $0x0  }
0x19: {  	s7 =	sld [smem:$0x3F9D]  }
0x1a: {  	s8 =	sadd.s32 $0xFFFFE003, lr  }
0x1b: {  	s9 =	sadd.s32 $0xFFFFFEF7, lr;
	s5 =	simm.s32 $0xFFFFFFFF;
	p2 =	slt.u32 s8, $0xFFFFF086  }
0x1c: {  	p1 =	slt.u32 s9, $0xF7A;
	s5 =	simm.s32 @!p2 $0x0  }
0x1d: {  	s5 =	simm.s32 @p1 $0x1;
	p0 =	seq.s32 s7, s2  }
0x1e: {  	s7 =	smul.u32 @!p0 $0xF7A, s2;
	p2 =	seq.s32 @!p0 s5, $0x0  }
0x1f: {  	s9 =	smul.u32 $0xF7A, s1;
	s8 =	simm.s32 @!p0 $0x1BF5;
	p2 =	por !p2, p0  }
0x20: {  	[sflag:s8] =	ssyncset.s32 @!p0 $0xFFFFF086;
	s6 =	sadd.s32 @!p0 s3, s7;
	s7 =	simm.s32 @!p0 $0x108  }
0x21: {  	s3 =	sadd.s32 s3, s9;
	s6 =	sadd.s32 @!p0 $0x88, s6;
	s7 =	simm.s32 @p2 $0x1082  }
0x22: {  	[simem:s7], [sflag:s8] =	dma.local @!p0 [hbm:s6], $0xF7A  }
0x23: {  	s9 =	sor.u32 $0xD0000000, s2;
	s6 =	simm.s32 $0x108;
	_ =	swait.ge @!p0 [sflag:s8], $0x0  }
0x24: {  	s3 =	sadd.s32 $0x88, s3;
	s6 =	simm.s32 @!p1 $0x1082;
	[sflag:s4] =	ssyncset.s32 $0xFFFFF086  }
0x25: {  	[simem:s6], [sflag:s4] =	dma.local [hbm:s3], $0xF7A  }
0x26: {  	[smem:$0x3F9D] =	sst s1;
	(tag) =	ssettag s2;
	_ =	strace s9  }
0x27: {  	s1 =	sld [smem:$0x3FAD]  }
0x28: {  	s2 =	sld [smem:$0x3FAE]  }
0x29: {  	s4 =	sld [smem:$0x3FB0]  }
0x2a: {  	p0 =	seq.s32 s5, $0x0;
	s5 =	sld [smem:$0x3FB1]  }
0x2b: {  	s6 =	sld [smem:$0x3FB2]  }
0x2c: {  	s7 =	sld [smem:$0x3FB3]  }
0x2d: {  	s3 =	simm.s32 $0x108;
	s8 =	sld [smem:$0x3FB4]  }
0x2e: {  	s3 =	simm.s32 @!p0 $0x1082;
	s9 =	sld [smem:$0x3FB5]  }
0x2f: {  	lr =	sadd.s32 s0, s3;
	s0 =	sld [smem:$0x3FAC]  }
0x30: {  	s3 =	sld [smem:$0x3FAF]  }
0x31: {  	[smem:$0x3FB8] =	sst s10  }
0x32: {  	s10 =	sld [smem:$0x3FB6];
	_ =	sdelay $0x3  }
0x33: {  	p0 =	seq.s32 s10, $0x1;
	s10 =	sld [smem:$0x3FB8];
	_ =	sdelay $0x3  }
0x34: {  	[smem:$0x3FB8] =	sst s10  }
0x35: {  	s10 =	sld [smem:$0x3FB7];
	_ =	sdelay $0x3  }
0x36: {  	p1 =	seq.s32 s10, $0x1;
	s10 =	sld [smem:$0x3FB8];
	_ =	sdelay $0x3  }
0x37: {  	[smem:$0x3FB8] =	sst s10  }
0x38: {  	s10 =	sld [smem:$0x3FB9]  }
0x39: {  	_ = 	snop;
	(pc) =	sbr.ind lr, $3  }
0x3a: {  	_ = 	snop  }
0x3b: {  	_ = 	snop  }
0x3c: {  	p2 =	seq.s32 s10, $0x1;
	s10 =	sld [smem:$0x3FB8]  }
0x3d: {  	_ =	shalt  }
0x3e: {  	_ =	shalt  }
0x3f: {  	_ =	shalt  }
0x40: {  	_ =	shalt  }
0x41: {  	_ =	shalt  }
0x42: {  	_ =	shalt  }
0x43: {  	_ =	shalt  }
0x44: {  	_ =	shalt  }
0x45: {  	_ =	shalt  }
0x46: {  	_ =	shalt  }
0x47: {  	_ =	shalt  }
0x48: {  	_ =	shalt  }
0x49: {  	_ =	shalt  }
0x4a: {  	_ =	shalt  }
0x4b: {  	_ =	shalt  }
0x4c: {  	_ =	shalt  }
0x4d: {  	_ =	shalt  }
0x4e: {  	_ =	shalt  }
0x4f: {  	_ =	shalt  }
0x50: {  	_ =	shalt  }
0x51: {  	_ =	shalt  }
0x52: {  	_ =	shalt  }
0x53: {  	_ =	shalt  }
0x54: {  	_ =	shalt  }
0x55: {  	_ =	shalt  }
0x56: {  	_ =	shalt  }
0x57: {  	_ =	shalt  }
0x58: {  	_ =	shalt  }
0x59: {  	_ =	shalt  }
0x5a: {  	_ =	shalt  }
0x5b: {  	_ =	shalt  }
0x5c: {  	_ =	shalt  }
0x5d: {  	_ =	shalt  }
0x5e: {  	_ =	shalt  }
0x5f: {  	_ =	shalt  }
0x60: {  	_ =	shalt  }
0x61: {  	_ =	shalt  }
0x62: {  	_ =	shalt  }
0x63: {  	_ =	shalt  }
0x64: {  	_ =	shalt  }
0x65: {  	_ =	shalt  }
0x66: {  	_ =	shalt  }
0x67: {  	_ =	shalt  }
0x68: {  	_ =	shalt  }
0x69: {  	_ =	shalt  }
0x6a: {  	_ =	shalt  }
0x6b: {  	_ =	shalt  }
0x6c: {  	_ =	shalt  }
0x6d: {  	_ =	shalt  }
0x6e: {  	_ =	shalt  }
0x6f: {  	_ =	shalt  }
0x70: {  	_ =	shalt  }
0x71: {  	_ =	shalt  }
0x72: {  	_ =	shalt  }
0x73: {  	_ =	shalt  }
0x74: {  	_ =	shalt  }
0x75: {  	_ =	shalt  }
0x76: {  	_ =	shalt  }
0x77: {  	_ =	shalt  }
0x78: {  	_ =	shalt  }
0x79: {  	_ =	shalt  }
0x7a: {  	_ =	shalt  }
0x7b: {  	_ =	shalt  }
0x7c: {  	_ =	shalt  }
0x7d: {  	_ =	shalt  }
0x7e: {  	_ =	shalt  }
0x7f: {  	_ =	shalt  }
0x80: {  	_ =	shalt  }
0x81: {  	_ =	shalt  }
0x82: {  	_ =	shalt  }
0x83: {  	_ =	shalt  }
0x84: {  	_ =	shalt  }
0x85: {  	_ =	shalt  }
0x86: {  	_ =	shalt  }
0x87: {  	_ =	shalt  }
.Lfunc_end0:
.L_simem_size_0:
called_computation_lowered:
.L_overlay_start_0:
0x88: {  	s2 =	sld [smem:$0x3FD9]  }
0x89: {  	s3 =	sld [smem:$0x3FFE];
	_ =	sdelay $0x1  }
0x8a: {  	s1 =	srdreg.scid  }
0x8b: {  	s0 =	sand.u32 $0x1, s1  }
0x8c: {  	s15 =	sshll.u32 s0, $0xA;
	s2 =	sadd.s32 s3, s2  }
0x8d: {  	s2 =	sadd.s32 s2, s15  }
0x8e: {  	[smem:$0x3FC4] =	sst s2  }
0x8f: {  	_ = 	snop  }
0x90: {  	s2 =	sld [smem:$0x3FD0];
	_ =	sdelay $0x2  }
0x91: {  	s4 =	simm.s32 $0xA;
	s5 =	simm.s32 $0x10;
	s16 =	sld [smem:$0x3FC8]  }
0x92: {  	[smem:s5], [sflag:s4] =	dma.local [hbm:s2], $0x1  }
0x93: {  	_ =	swait.eq [sflag:s4], $0x1  }
0x94: {  	[sflag:s4] =	ssyncset.done $0x0  }
0x95: {  	[sflag:s4] =	ssyncadd.s32 $0xFFFFFFFF  }
0x96: {  	s17 =	sld [smem:$0x11];
	(tm) =	ssettm $0x1  }
0x97: {  	s18 =	sld [smem:$0x3FFB];
	_ =	sdelay $0x3  }
0x98: {  	_ =	strace s18  }
0x99: {  	s4 =	sld [smem:$0x3FFC];
	_ =	sdelay $0x3  }
0x9a: {  	_ =	strace s4  }
0x9b: {  	s4 =	sld [smem:$0x3FFD];
	_ =	sdelay $0x3  }
0x9c: {  	_ =	strace s4  }
0x9d: {  	_ =	strace $0x8FFFFFFF  }
0x9e: {  	s19 =	sld [smem:$0x3FDB];
	_ =	sdelay $0x1  }
0x9f: {  	s20 =	simm.s32 $_scs_section_size  }
0xa0: {  	s6 =	simm.s32 $_size__tile_overlayer_lowered;
	s7 =	simm.s32 $_tile_overlayer_lowered  }
0xa1: {  	s23 =	simm.s32 $0x1BFF;
	s22 =	sshll.u32 s7, $0x1;
	s4 =	sadd.s32 s20, s19  }
0xa2: {  	s8 =	simm.s32 $0x0;
	s21 =	sshll.u32 s6, $0x1;
	s6 =	sadd.s32 s22, s4  }
0xa3: {  	[timem:s8], [sflag:s23] =	dma.local [hbm:s6], s21  }
0xa4: {  	_ =	swait.ge [sflag:s23], s21  }
0xa5: {  	s5 =	ssub.s32 $0x0, s21;
	[sflag:s23] =	ssyncset.done $0x0  }
0xa6: {  	[sflag:s23] =	ssyncadd.s32 s5;
	_ =	sdelay $0x1  }
0xa7: {  	s24 =	simm.s32 $0x1B8B  }
0xa8: {  	_ =	swait.ge [sflag:s24], $0x1  }
0xa9: {  	[sflag:s24] =	ssyncset.done $0x0  }
0xaa: {  	s25 =	simm.s32 $0x1B8E;
	[sflag:s24] =	ssyncadd.s32 $0xFFFFFFFF  }
0xab: {  	s26 =	simm.s32 $execute0_lowered;
	[smem:$0x3FD2] =	sst s25  }
0xac: {  	s5 =	sshll.u32 s26, $0x1;
	_ =	strace $0x80000046;
	[dreg:$0x1] =	wrdreg $0xFFFFFFFF  }
0xad: {  	s28 =	simm.s32 $_size_execute0_lowered;
	s4 =	sadd.s32 s4, s5;
	[dreg:$0x0] =	wrdreg $0x0  }
0xae: {  	s5 =	sshll.u32 s28, $0x1;
	[dreg:$0x2] =	wrdreg s4  }
0xaf: {  	[dreg:$0x3] =	wrdreg s5  }
0xb0: {  	[dreg:$0x4] =	wrdreg $0xC0  }
0xb1: {  	_ =	task [dreg:s8], $0x5FFFF  }
0xb2: {  	[dreg:$0x1] =	wrdreg $0xFFFFFFFF  }
0xb3: {  	[dreg:$0x0] =	wrdreg $0x60  }
0xb4: {  	[dreg:$0x2] =	wrdreg s16  }
0xb5: {  	[dreg:$0x3] =	wrdreg s17  }
0xb6: {  	[dreg:$0x4] =	wrdreg $0x9  }
0xb7: {  	_ =	task.clear_ibuf [dreg:s8], $0x5FFFF;
	_ =	strace $0x90000046  }
0xb8: {  	s29 =	simm.s32 $0x9;
	_ =	strace $0x80000048  }
0xb9: {  	_ =	swait.ge [sflag:s29], $0x1  }
0xba: {  	[sflag:s29] =	ssyncadd.s32 $0xFFFFFFFF  }
0xbb: {  	_ =	strace $0x90000048  }
0xbc: {  	_ =	sfence  }
0xbd: {  	s30 =	sld [smem:$0x0];
	_ =	sdelay $0x2  }
0xbe: {  	s31 =	sshll.u32 s1, $0xD;
	s1 =	sshrl.u32 s1, $0x2  }
0xbf: {  	s3 =	sand.u32 $0x4000, s31;
	s1 =	sadd.s32 s1, s30  }
0xc0: {  	s0 =	sor.u32 s3, s0;
	s1 =	sshll.u32 s1, $0x11  }
0xc1: {  	s0 =	sor.u32 s1, s0  }
0xc2: {  	s0 =	sadd.s32 $0x8F2B, s0  }
0xc3: {  	[sflag:s0] =	ssyncadd.remote.s32 $0x1  }
0xc4: {  	_ =	sfence.sel $0xFFFF  }
0xc5: {  	[dreg:$0x0] =	wrdreg $0xFFFFFFFF;
	(pc) =	sbr.abs _section_cstart, $3  }
0xc6: {  	[dreg:$0x1] =	wrdreg $0xFFFFFFFF  }
0xc7: {  	_ =	task.clear_ibuf [dreg:s8], $0x2FFFF;
	_ =	strace $0x9FFFFFFF  }
0xc8: {  	(tm) =	ssettm $0x7FFFFFFF  }
0xc9: {  	_ =	shalt  }
tec
execute0_lowered:
.L_overlay_start_1:
0x0: {  	(tag) =	ssettag $0x1  }
0x1: {  	s17 =	rddreg [dreg:$0x0]  }
0x2: {  	s1 =	srdreg.scid;
	s0 =	stileid.u32  }
0x3: {  	s16 =	rddreg [dreg:$0x1];
	s20 =	simm.s32 $0x10000;
	s14 =	smul.u32 $0x600000, s0  }
0x4: {  	s21 =	simm.s32 $0x2;
	s10 =	sand.u32 $0x1, s1;
	s26 =	smul.u32 $0xC0000, s0  }
0x5: {  	s22 =	simm.s32 $0x0;
	s2 =	sshll.u32 s0, $0x1;
	s15 =	smul.u32 $0x300000, s10  }
0x6: {  	s1 =	rddreg [dreg:$0x2];
	s3 =	sor.u32 s10, s2;
	s18 =	smul.u32 $0x60000, s10  }
0x7: {  	s2 =	simm.s32 $0x0;
	s4 =	ssub.s32 $0x2, s10;
	s6 =	smul.u32 $0x60000, s3  }
0x8: {  	[smem:$0x7FF] =	sst s2;
	s5 =	sshrl.u32 s4, $0x1;
	s7 =	smul.u32 $0x300000, s3  }
0x9: {  	_ =	strace $0x80000047;
	s5 =	ssub.s32 s4, s5;
	s14 =	sadd.s32 s15, s14  }
0xa: {  	s3 =	sadd.s32 s17, s6;
	s8 =	sor.u32 $0x10000, s7;
	s9 =	sor.u32 $0x8000, s7  }
0xb: {  	s11 =	sor.u32 $0x18000, s7;
	s12 =	sor.u32 $0x20000, s7;
	s5 =	smax.u32 s5, $0x1  }
0xc: {  	s6 =	sadd.s32 s16, s6;
	s28 =	sor.u32 $0x20000, s14;
	s30 =	sor.u32 $0x30000, s14  }
0xd: {  	s31 =	sor.u32 $0x38000, s14;
	s14 =	sor.u32 $0x28000, s14;
	s4 =	sadd.s32 $0x1000, s3  }
0xe: {  	s13 =	sshrl.u32 s8, $0x3;
	s24 =	sshrl.u32 s9, $0x3;
	s25 =	sshrl.u32 s11, $0x3  }
0xf: {  	s11 =	sadd.s32 s26, s16;
	s12 =	sshrl.u32 s12, $0x3;
	s15 =	sshrl.u32 s30, $0x3  }
0x10: {  	s19 =	sshrl.u32 s14, $0x3;
	s7 =	sadd.s32 s17, s13;
	s8 =	sadd.s32 s16, s24  }
.Ltmp0:
0x11: {  	s9 =	sadd.s32 s17, s25;
	s10 =	sadd.s32 s16, s13;
	(pc) =	sbr.rel .LBB2_1-.Ltmp0, $4  }
0x12: {  	s29 =	sadd.s32 s18, s11;
	s13 =	sshrl.u32 s28, $0x3;
	s11 =	sadd.s32 s17, s12  }
0x13: {  	s18 =	sshrl.u32 s31, $0x3;
	s14 =	sadd.s32 s15, s17;
	s12 =	sadd.s32 $0x3000, s29  }
0x14: {  	s13 =	sadd.s32 s13, s16;
	s15 =	sadd.s32 s18, s17;
	s16 =	sadd.s32 s19, s16  }
0x15: {  	s17 =	sadd.s32 s19, s17;
	s18 =	simm.s32 $0x8000;
	s19 =	simm.s32 $0x1  }
.LBB2_4:
0x16: {  	s22 =	sadd.s32 $0x1, s22  }
0x17: {  	p0 =	sne.s32 s22, s5  }
.Ltmp1:
0x18: {  	_ = 	snop;
	(pc) =	sbr.rel @!p0 .LBB2_5-.Ltmp1, $4  }
0x19: {  	_ = 	snop  }
0x1a: {  	_ =	swait.ge [sflag:s21], $0x8000  }
0x1b: {  	[sflag:s21] =	ssyncset.done $0x0  }
0x1c: {  	[sflag:s21] =	ssyncadd.s32 $0xFFFF8000  }
.LBB2_1:
0x1d: {  	[tilespmem:s2], [sflag:$0x1] =	stream.linear.gather [hbm4b:s3+s2], $0x8000, $0x38;
	[tilespmem:$0x18000] =	vst v63  }
0x1e: {  	_ = 	snop  }
0x1f: {  	[tilespmem:s18], [sflag:$0x1] =	stream.linear.gather [hbm4b:s4+s2], $0x8000, $0x38;
	[tilespmem:$0x18000] =	vst v63  }
0x20: {  	_ =	swait.ge [sflag:s19], $0x8000  }
0x21: {  	[sflag:s19] =	ssyncset.done $0x0  }
0x22: {  	[sflag:s19] =	ssyncadd.s32 $0xFFFF8000  }
0x23: {  	[hbm4b:s6+s2] =	stream.linear.scatter [tilespmem:s2], [sflag:$0x2], $0x8000, $0x38;
	[tilespmem:$0x18000] =	vst v63  }
0x24: {  	_ = 	snop  }
0x25: {  	[tilespmem:s20], [sflag:$0x1] =	stream.linear.gather [hbm4b:s7+s2], $0x8000, $0x38;
	[tilespmem:$0x18000] =	vst v63  }
0x26: {  	_ =	swait.ge [sflag:s19], $0x8000  }
0x27: {  	[sflag:s19] =	ssyncset.done $0x0  }
0x28: {  	[sflag:s19] =	ssyncadd.s32 $0xFFFF8000  }
0x29: {  	[hbm4b:s8+s2] =	stream.linear.scatter [tilespmem:s18], [sflag:$0x2], $0x8000, $0x38;
	[tilespmem:$0x18000] =	vst v63  }
0x2a: {  	_ =	swait.ge [sflag:s21], $0x8000  }
0x2b: {  	[sflag:s21] =	ssyncset.done $0x0  }
0x2c: {  	[sflag:s21] =	ssyncadd.s32 $0xFFFF8000  }
0x2d: {  	[tilespmem:s2], [sflag:$0x1] =	stream.linear.gather [hbm4b:s9+s2], $0x8000, $0x38;
	[tilespmem:$0x18000] =	vst v63  }
0x2e: {  	_ =	swait.ge [sflag:s19], $0x8000  }
0x2f: {  	[sflag:s19] =	ssyncset.done $0x0  }
0x30: {  	[sflag:s19] =	ssyncadd.s32 $0xFFFF8000  }
0x31: {  	[hbm4b:s10+s2] =	stream.linear.scatter [tilespmem:s20], [sflag:$0x2], $0x8000, $0x38;
	[tilespmem:$0x18000] =	vst v63  }
0x32: {  	_ =	swait.ge [sflag:s21], $0x8000  }
0x33: {  	[sflag:s21] =	ssyncset.done $0x0  }
0x34: {  	s23 =	simm.s32 $0x0;
	[sflag:s21] =	ssyncadd.s32 $0xFFFF8000  }
0x35: {  	[tilespmem:s18], [sflag:$0x1] =	stream.linear.gather [hbm4b:s11+s2], $0x8000, $0x38;
	[tilespmem:$0x18000] =	vst v63  }
.LBB2_2:
0x36: {  	_ =	swait.ge [sflag:s19], $0x8000  }
0x37: {  	[sflag:s19] =	ssyncset.done $0x0  }
0x38: {  	s24 =	sadd.s32 s23, s12;
	[sflag:s19] =	ssyncadd.s32 $0xFFFF8000  }
0x39: {  	[hbm4b:s24+s2] =	stream.linear.scatter [tilespmem:s2], [sflag:$0x2], $0x8000, $0x38;
	[tilespmem:$0x18000] =	vst v63  }
0x3a: {  	_ =	swait.ge [sflag:s21], $0x8000  }
0x3b: {  	[sflag:s21] =	ssyncset.done $0x0  }
0x3c: {  	s29 =	sadd.s32 s23, s17;
	[sflag:s21] =	ssyncadd.s32 $0xFFFF8000  }
0x3d: {  	[tilespmem:s20], [sflag:$0x1] =	stream.linear.gather [hbm4b:s29+s2], $0x8000, $0x38;
	[tilespmem:$0x18000] =	vst v63  }
0x3e: {  	_ =	swait.ge [sflag:s19], $0x8000  }
0x3f: {  	[sflag:s19] =	ssyncset.done $0x0  }
0x40: {  	s30 =	sadd.s32 s23, s13;
	[sflag:s19] =	ssyncadd.s32 $0xFFFF8000  }
0x41: {  	[hbm4b:s30+s2] =	stream.linear.scatter [tilespmem:s18], [sflag:$0x2], $0x8000, $0x38;
	[tilespmem:$0x18000] =	vst v63  }
0x42: {  	_ =	swait.ge [sflag:s21], $0x8000  }
0x43: {  	p0 =	seq.s32 s23, $0x5A000;
	[sflag:s21] =	ssyncset.done $0x0  }
0x44: {  	s25 =	simm.s32 @!p0 $0x0;
	s24 =	sadd.s32 @!p0 s23, s14;
	[sflag:s21] =	ssyncadd.s32 $0xFFFF8000  }
0x45: {  	[tilespmem:s25], [sflag:$0x1] =	stream.linear.gather @!p0 [hbm4b:s24+s25], $0x8000, $0x38;
	[tilespmem:$0x18000] =	vst v63  }
0x46: {  	_ =	swait.ge [sflag:s19], $0x8000  }
0x47: {  	[sflag:s19] =	ssyncset.done $0x0  }
.Ltmp2:
0x48: {  	s31 =	sadd.s32 s23, s16;
	[sflag:s19] =	ssyncadd.s32 $0xFFFF8000;
	(pc) =	sbr.rel @p0 .LBB2_4-.Ltmp2, $4  }
0x49: {  	[hbm4b:s31+s2] =	stream.linear.scatter [tilespmem:s20], [sflag:$0x2], $0x8000, $0x38;
	[tilespmem:$0x18000] =	vst v63  }
0x4a: {  	_ =	swait.ge [sflag:s21], $0x8000  }
0x4b: {  	[sflag:s21] =	ssyncset.done $0x0  }
0x4c: {  	[sflag:s21] =	ssyncadd.s32 $0xFFFF8000  }
.Ltmp3:
0x4d: {  	(pc) =	sbr.rel .LBB2_2-.Ltmp3, $3  }
0x4e: {  	_ =	sdelay $0x1  }
0x4f: {  	s24 =	sadd.s32 s23, s15;
	s23 =	sadd.s32 $0x3000, s23  }
0x50: {  	[tilespmem:s18], [sflag:$0x1] =	stream.linear.gather [hbm4b:s24+s2], $0x8000, $0x38;
	[tilespmem:$0x18000] =	vst v63  }
.LBB2_5:
0x51: {  	_ =	sfence.sel $0x180000  }
0x52: {  	[bflag:$0x0] =	sbarrier.arrive $0xFFFF  }
0x53: {  	p0 =	sne.s32 s0, $0x0;
	_ =	strace $0x90000047  }
0x54: {  	s0 =	sadd.s32 @!p0 $0x100000, s1;
	[bflag:$0x2] =	sbarrier.arrive $0xFFFF  }
0x55: {  	[sflag:s0] =	ssyncadd.tile.s32 @!p0 $0x1;
	_ =	shalt  }
.Lfunc_end2:
_tile_overlayer_lowered:
.L_overlay_start_2:
0x56: {  	(tag) =	ssettag $0x2  }
0x57: {  	s0 =	rddreg [dreg:$0x0];
	s2 =	stileid.u32  }
0x58: {  	s1 =	rddreg [dreg:$0x1];
	p0 =	sne.s32 s2, $0x0  }
0x59: {  	s3 =	rddreg [dreg:$0x2];
	[bflag:$0x3] =	sbarrier.arrive $0xFFFF;
	s2 =	simm.s32 @!p0 $0x1C03  }
0x5a: {  	[timem:s3], [sflag:s2] =	dma.local @!p0 [hbm:s0], s1  }
0x5b: {  	s0 =	simm.s32 @!p0 $0x3  }
0x5c: {  	_ =	swait.ge @!p0 [sflag:s0], s1  }
0x5d: {  	s1 =	ssub.s32 @!p0 $0x0, s1;
	[sflag:s0] =	ssyncset.done @!p0 $0x0  }
0x5e: {  	[sflag:s0] =	ssyncadd.s32 @!p0 s1  }
0x5f: {  	[bflag:$0x3] =	sbarrier.arrive $0xFFFF  }
0x60: {  	_ =	shalt  }

</sc_bundles>
